<compile_context>
chip_gen: v7x
topology: tpu7x:2x2x1
jax: 0.10.2.dev20260603
libtpu: 0.0.44.dev20260713+nightly
codegen_flags: <defaults>
</compile_context>

<pallas_src>
import functools

import jax
import jax.numpy as jnp
from jax import lax
from jax.experimental import pallas as pl
from jax.experimental.pallas import tpu as pltpu
from jax.experimental.pallas import tpu_sc as plsc

NC = 2
NS = 16
NW = NC * NS
L = 16


def _linear_parts_kernel(h_ref, wpad_ref, wt_ref, scal_ref, a_ref, c_ref, wb_ref):
    ac = lax.dot_general(
        wpad_ref[...], h_ref[...],
        dimension_numbers=(((1,), (1,)), ((), ())),
        preferred_element_type=jnp.float32,
    )
    a_ref[...] = ac[0:1]
    c_ref[...] = ac[1:2]
    wb = wt_ref[...] * scal_ref[0, 0] + scal_ref[0, 1]
    wb_ref[...] = wb.reshape(wb_ref.shape)


def _fill_kernel(o_ref):
    o_ref[...] = jnp.full_like(o_ref, -jnp.inf)


def _sc_mesh():
    return plsc.VectorSubcoreMesh(
        core_axis_name="c", subcore_axis_name="s",
        num_cores=NC, num_subcores=NS,
    )


def _make_edge_vals(n, e, ept):
    @functools.partial(
        pl.kernel, mesh=_sc_mesh(),
        out_type=(
            jax.ShapeDtypeStruct((e,), jnp.int32),
            jax.ShapeDtypeStruct((e,), jnp.float32),
        ),
        compiler_params=pltpu.CompilerParams(needs_layout_passes=False),
        scratch_types=[
            pltpu.VMEM((1, n), jnp.float32),
            pltpu.VMEM((1, n), jnp.float32),
            pltpu.VMEM((ept,), jnp.int32),
            pltpu.VMEM((ept,), jnp.int32),
            pltpu.VMEM((ept,), jnp.float32),
            pltpu.VMEM((ept,), jnp.int32),
            pltpu.VMEM((ept,), jnp.float32),
        ],
    )
    def edge_vals(a_hbm, c_hbm, wb_hbm, src_hbm, dst_hbm, idx_hbm, valo_hbm,
                  a_v, c_v, src_v, dst_v, wb_v, idx_v, val_v):
        wid = lax.axis_index("s") * NC + lax.axis_index("c")
        base = wid * ept
        pltpu.sync_copy(a_hbm, a_v)
        pltpu.sync_copy(c_hbm, c_v)
        pltpu.sync_copy(src_hbm.at[pl.ds(base, ept)], src_v)
        pltpu.sync_copy(dst_hbm.at[pl.ds(base, ept)], dst_v)
        pltpu.sync_copy(wb_hbm.at[pl.ds(base, ept)], wb_v)

        def group(g, _):
            o = g * L
            s = src_v[pl.ds(o, L)]
            t = dst_v[pl.ds(o, L)]
            va = plsc.load_gather(a_v.at[0], [s])
            vc = plsc.load_gather(c_v.at[0], [t])
            idx_v[pl.ds(o, L)] = s * n + t
            val_v[pl.ds(o, L)] = va + vc + wb_v[pl.ds(o, L)]
            return 0

        lax.fori_loop(0, ept // L, group, 0)
        pltpu.sync_copy(idx_v, idx_hbm.at[pl.ds(base, ept)])
        pltpu.sync_copy(val_v, valo_hbm.at[pl.ds(base, ept)])

    return edge_vals


def _make_scatter(ept):
    @functools.partial(
        pl.kernel, mesh=_sc_mesh(), out_type=(),
        compiler_params=pltpu.CompilerParams(needs_layout_passes=False),
        scratch_types=[
            pltpu.VMEM((ept,), jnp.int32),
            pltpu.VMEM((ept,), jnp.float32),
            pltpu.SemaphoreType.DMA,
        ],
    )
    def scatter(scores_ref, idx_hbm, val_hbm, idx_v, val_v, sem):
        wid = lax.axis_index("s") * NC + lax.axis_index("c")
        base = wid * ept
        pltpu.sync_copy(idx_hbm.at[pl.ds(base, ept)], idx_v)
        pltpu.sync_copy(val_hbm.at[pl.ds(base, ept)], val_v)
        pltpu.async_copy(val_v, scores_ref.at[idx_v], sem).wait()

    return scatter


def kernel(h, sources, dists, weights, W, b):
    n, d = h.shape
    e = sources.shape[0]
    assert e % (NW * L) == 0
    ept = e // NW

    wpad = W[: 2 * d, 0].reshape(2, d)
    scal = jnp.reshape(jnp.stack([W[2 * d, 0], b[0]]), (1, 2))
    srci = sources.astype(jnp.int32)
    dsti = dists.astype(jnp.int32)
    wt2 = weights.reshape(1, e)

    a_part, c_part, wb = pl.pallas_call(
        _linear_parts_kernel,
        out_shape=(
            jax.ShapeDtypeStruct((1, n), jnp.float32),
            jax.ShapeDtypeStruct((1, n), jnp.float32),
            jax.ShapeDtypeStruct((e // 128, 128), jnp.float32),
        ),
        in_specs=[
            pl.BlockSpec(memory_space=pltpu.VMEM),
            pl.BlockSpec(memory_space=pltpu.VMEM),
            pl.BlockSpec(memory_space=pltpu.VMEM),
            pl.BlockSpec(memory_space=pltpu.SMEM),
        ],
        out_specs=(
            pl.BlockSpec(memory_space=pltpu.VMEM),
            pl.BlockSpec(memory_space=pltpu.VMEM),
            pl.BlockSpec(memory_space=pltpu.VMEM),
        ),
    )(h, wpad, wt2, scal)
    wb_flat = wb.reshape(e)

    idx_all, val_all = _make_edge_vals(n, e, ept)(
        a_part, c_part, wb_flat, srci, dsti)

    blk = 2 ** 21
    scores0 = pl.pallas_call(
        _fill_kernel,
        grid=(pl.cdiv(n * n, blk),),
        out_shape=jax.ShapeDtypeStruct((n * n,), jnp.float32),
        out_specs=pl.BlockSpec((blk,), lambda i: (i,)),
    )()

    scores_ref = jax.new_ref(scores0)
    _make_scatter(ept)(scores_ref, idx_all, val_all)
    return scores_ref[...].reshape(n, n)

# --- scband reference (transcript-rebuilt; emitter-appended) ---
"""Pipeline reference for scband-predecessor-59768764891682 (READ-ONLY COPY).

The authoritative reference and input builder live on the scoring server;
editing this copy changes nothing except your own understanding.
"""

import jax, jax.numpy as jnp
import numpy as np

N = 10000
E = 320000
D = 128

def setup_inputs(seed: int = 0) -> dict:
    key = jax.random.key(seed)
    k1, k2, k3, k4, k5 = jax.random.split(key, 5)
    h = jax.random.normal(k1, (N, D), dtype=jnp.float32)
    sources = jax.random.randint(k2, (E,), 0, N)
    dists = jax.random.randint(k3, (E,), 0, N)
    weights = jax.random.uniform(k4, (E, 1), dtype=jnp.float32)
    # Learned params of nn.Linear(2*D+1, 1)
    W = jax.random.normal(k5, (2 * D + 1, 1), dtype=jnp.float32) * 0.05
    b = jnp.zeros((1,), dtype=jnp.float32)
    return {"h": h, "sources": sources, "dists": dists, "weights": weights, "W": W, "b": b}

def reference(h, sources, dists, weights, W, b):
    n = h.shape[0]
    # gather endpoint features and concat edge weight (memory-bound gathers)
    edge_input = jnp.concatenate([h[sources], h[dists], weights], axis=1)  # [E, 2D+1]
    vals = (edge_input @ W + b)[:, 0]  # [E]
    scores = jnp.full((n, n), -jnp.inf, dtype=h.dtype)
    scores = scores.at[sources, dists].set(vals)  # scatter-overwrite into dense matrix
    return scores

if __name__ == "__main__":
    import jax
    _d = setup_inputs()
    print(jax.jit(kernel)(*tuple(_d.values())))

</pallas_src>

<mosaic_0001>
#map = affine_map<(d0, d1) -> (0, 0)>
#map1 = affine_map<(d0, d1) -> (0)>
module attributes {stable_mosaic.version = 14 : i64} {
  func.func @edge_vals(%arg0: i32, %arg1: i32, %arg2: memref<1x10000xf32, #tpu.memory_space<hbm>>, %arg3: memref<1x10000xf32, #tpu.memory_space<hbm>>, %arg4: memref<320000xf32, #tpu.memory_space<hbm>>, %arg5: memref<320000xi32, #tpu.memory_space<hbm>>, %arg6: memref<320000xi32, #tpu.memory_space<hbm>>, %arg7: memref<320000xi32, #tpu.memory_space<hbm>>, %arg8: memref<320000xf32, #tpu.memory_space<hbm>>, %arg9: memref<1x10000xf32, #tpu.memory_space<vmem>>, %arg10: memref<1x10000xf32, #tpu.memory_space<vmem>>, %arg11: memref<10000xi32, #tpu.memory_space<vmem>>, %arg12: memref<10000xi32, #tpu.memory_space<vmem>>, %arg13: memref<10000xf32, #tpu.memory_space<vmem>>, %arg14: memref<10000xi32, #tpu.memory_space<vmem>>, %arg15: memref<10000xf32, #tpu.memory_space<vmem>>) attributes {dimension_semantics = [#tpu.dimension_semantics<core_parallel>, #tpu.dimension_semantics<subcore_parallel>], iteration_bounds = array<i64: 2, 16>, scalar_prefetch = 0 : i64, scratch_operands = 7 : i64, tpu.core_type = #tpu.core_type<sc_vector_subcore>, window_params = [{transform_indices = #map}, {transform_indices = #map}, {transform_indices = #map1}, {transform_indices = #map1}, {transform_indices = #map1}, {transform_indices = #map1}, {transform_indices = #map1}]} {
    %mul3A = arith.constant 2 : i32
    %mul3A_0 = arith.muli %arg1, %mul3A : i32
    %add3A = arith.addi %mul3A_0, %arg0 : i32
    %mul3A_1 = arith.constant 10000 : i32
    %mul3A_2 = arith.muli %add3A, %mul3A_1 : i32
    "tpu.region"() ({
      %run_scoped3A = tpu.sem_alloc : memref<!tpu.dma_semaphore, #tpu.memory_space<semaphore_mem>>
      tpu.enqueue_dma source(%arg2 : memref<1x10000xf32, #tpu.memory_space<hbm>>) target(%arg9 : memref<1x10000xf32, #tpu.memory_space<vmem>>) target_semaphore(%run_scoped3A : memref<!tpu.dma_semaphore, #tpu.memory_space<semaphore_mem>>)
      tpu.wait_dma2 semaphore(%run_scoped3A : memref<!tpu.dma_semaphore, #tpu.memory_space<semaphore_mem>>) src(%arg2 : memref<1x10000xf32, #tpu.memory_space<hbm>>) dst(%arg9 : memref<1x10000xf32, #tpu.memory_space<vmem>>)
      tpu.yield
    }) : () -> ()
    "tpu.region"() ({
      %run_scoped3A = tpu.sem_alloc : memref<!tpu.dma_semaphore, #tpu.memory_space<semaphore_mem>>
      tpu.enqueue_dma source(%arg3 : memref<1x10000xf32, #tpu.memory_space<hbm>>) target(%arg10 : memref<1x10000xf32, #tpu.memory_space<vmem>>) target_semaphore(%run_scoped3A : memref<!tpu.dma_semaphore, #tpu.memory_space<semaphore_mem>>)
      tpu.wait_dma2 semaphore(%run_scoped3A : memref<!tpu.dma_semaphore, #tpu.memory_space<semaphore_mem>>) src(%arg3 : memref<1x10000xf32, #tpu.memory_space<hbm>>) dst(%arg10 : memref<1x10000xf32, #tpu.memory_space<vmem>>)
      tpu.yield
    }) : () -> ()
    "tpu.region"() ({
      %run_scoped3A = tpu.sem_alloc : memref<!tpu.dma_semaphore, #tpu.memory_space<semaphore_mem>>
      %dma_start3A = tpu.memref_slice %arg5[%mul3A_2] : memref<320000xi32, #tpu.memory_space<hbm>> -> memref<10000xi32, #tpu.memory_space<hbm>>
      %dma_start3A_9 = tpu.memref_slice %arg5[%mul3A_2] : memref<320000xi32, #tpu.memory_space<hbm>> -> memref<10000xi32, #tpu.memory_space<hbm>>
      tpu.enqueue_dma source(%dma_start3A_9 : memref<10000xi32, #tpu.memory_space<hbm>>) target(%arg11 : memref<10000xi32, #tpu.memory_space<vmem>>) target_semaphore(%run_scoped3A : memref<!tpu.dma_semaphore, #tpu.memory_space<semaphore_mem>>)
      %dma_wait3A = tpu.memref_slice %arg5[%mul3A_2] : memref<320000xi32, #tpu.memory_space<hbm>> -> memref<10000xi32, #tpu.memory_space<hbm>>
      %dma_wait3A_10 = tpu.memref_slice %arg5[%mul3A_2] : memref<320000xi32, #tpu.memory_space<hbm>> -> memref<10000xi32, #tpu.memory_space<hbm>>
      tpu.wait_dma2 semaphore(%run_scoped3A : memref<!tpu.dma_semaphore, #tpu.memory_space<semaphore_mem>>) src(%dma_wait3A_10 : memref<10000xi32, #tpu.memory_space<hbm>>) dst(%arg11 : memref<10000xi32, #tpu.memory_space<vmem>>)
      tpu.yield
    }) : () -> ()
    "tpu.region"() ({
      %run_scoped3A = tpu.sem_alloc : memref<!tpu.dma_semaphore, #tpu.memory_space<semaphore_mem>>
      %dma_start3A = tpu.memref_slice %arg6[%mul3A_2] : memref<320000xi32, #tpu.memory_space<hbm>> -> memref<10000xi32, #tpu.memory_space<hbm>>
      %dma_start3A_9 = tpu.memref_slice %arg6[%mul3A_2] : memref<320000xi32, #tpu.memory_space<hbm>> -> memref<10000xi32, #tpu.memory_space<hbm>>
      tpu.enqueue_dma source(%dma_start3A_9 : memref<10000xi32, #tpu.memory_space<hbm>>) target(%arg12 : memref<10000xi32, #tpu.memory_space<vmem>>) target_semaphore(%run_scoped3A : memref<!tpu.dma_semaphore, #tpu.memory_space<semaphore_mem>>)
      %dma_wait3A = tpu.memref_slice %arg6[%mul3A_2] : memref<320000xi32, #tpu.memory_space<hbm>> -> memref<10000xi32, #tpu.memory_space<hbm>>
      %dma_wait3A_10 = tpu.memref_slice %arg6[%mul3A_2] : memref<320000xi32, #tpu.memory_space<hbm>> -> memref<10000xi32, #tpu.memory_space<hbm>>
      tpu.wait_dma2 semaphore(%run_scoped3A : memref<!tpu.dma_semaphore, #tpu.memory_space<semaphore_mem>>) src(%dma_wait3A_10 : memref<10000xi32, #tpu.memory_space<hbm>>) dst(%arg12 : memref<10000xi32, #tpu.memory_space<vmem>>)
      tpu.yield
    }) : () -> ()
    "tpu.region"() ({
      %run_scoped3A = tpu.sem_alloc : memref<!tpu.dma_semaphore, #tpu.memory_space<semaphore_mem>>
      %dma_start3A = tpu.memref_slice %arg4[%mul3A_2] : memref<320000xf32, #tpu.memory_space<hbm>> -> memref<10000xf32, #tpu.memory_space<hbm>>
      %dma_start3A_9 = tpu.memref_slice %arg4[%mul3A_2] : memref<320000xf32, #tpu.memory_space<hbm>> -> memref<10000xf32, #tpu.memory_space<hbm>>
      tpu.enqueue_dma source(%dma_start3A_9 : memref<10000xf32, #tpu.memory_space<hbm>>) target(%arg13 : memref<10000xf32, #tpu.memory_space<vmem>>) target_semaphore(%run_scoped3A : memref<!tpu.dma_semaphore, #tpu.memory_space<semaphore_mem>>)
      %dma_wait3A = tpu.memref_slice %arg4[%mul3A_2] : memref<320000xf32, #tpu.memory_space<hbm>> -> memref<10000xf32, #tpu.memory_space<hbm>>
      %dma_wait3A_10 = tpu.memref_slice %arg4[%mul3A_2] : memref<320000xf32, #tpu.memory_space<hbm>> -> memref<10000xf32, #tpu.memory_space<hbm>>
      tpu.wait_dma2 semaphore(%run_scoped3A : memref<!tpu.dma_semaphore, #tpu.memory_space<semaphore_mem>>) src(%dma_wait3A_10 : memref<10000xf32, #tpu.memory_space<hbm>>) dst(%arg13 : memref<10000xf32, #tpu.memory_space<vmem>>)
      tpu.yield
    }) : () -> ()
    %scan3A = arith.constant 0 : i32
    %scan3A_3 = arith.constant 0 : i32
    %scan3A_4 = arith.constant 625 : i32
    %scan3A_5 = arith.addi %scan3A_3, %scan3A_4 : i32
    %scan3A_6 = arith.constant 1 : i32
    %scan3A_7 = scf.for %scan3A_9 = %scan3A_3 to %scan3A_5 step %scan3A_6 iter_args(%scan3A_10 = %scan3A) -> (i32)  : i32 {
      %mul3A_11 = arith.constant 16 : i32
      %mul3A_12 = arith.muli %scan3A_9, %mul3A_11 : i32
      %get3A = arith.index_cast %mul3A_12 : i32 to index
      %get3A_13 = tpu.vector_load %arg11[%get3A] {strides = array<i32>} : memref<10000xi32, #tpu.memory_space<vmem>>, vector<16xi32>,
      %get3A_14 = arith.index_cast %mul3A_12 : i32 to index
      %get3A_15 = tpu.vector_load %arg12[%get3A_14] {strides = array<i32>} : memref<10000xi32, #tpu.memory_space<vmem>>, vector<16xi32>,
      %gather3A = arith.constant 0 : i32
      %gather3A_16 = arith.constant 0 : i32
      %gather3A_17 = tpu.memref_slice %arg9[%gather3A, %gather3A_16] : memref<1x10000xf32, #tpu.memory_space<vmem>> -> memref<1x10000xf32, #tpu.memory_space<vmem>>
      %gather3A_18 = tpu.memref_squeeze %gather3A_17 : memref<1x10000xf32, #tpu.memory_space<vmem>> -> memref<10000xf32, #tpu.memory_space<vmem>>
      %gather3A_19 = tpu.vector_load_idx %gather3A_18[%get3A_13] : memref<10000xf32, #tpu.memory_space<vmem>>[vector<16xi32>], vector<16xf32>,
      %gather3A_20 = arith.constant 0 : i32
      %gather3A_21 = arith.constant 0 : i32
      %gather3A_22 = tpu.memref_slice %arg10[%gather3A_20, %gather3A_21] : memref<1x10000xf32, #tpu.memory_space<vmem>> -> memref<1x10000xf32, #tpu.memory_space<vmem>>
      %gather3A_23 = tpu.memref_squeeze %gather3A_22 : memref<1x10000xf32, #tpu.memory_space<vmem>> -> memref<10000xf32, #tpu.memory_space<vmem>>
      %gather3A_24 = tpu.vector_load_idx %gather3A_23[%get3A_15] : memref<10000xf32, #tpu.memory_space<vmem>>[vector<16xi32>], vector<16xf32>,
      %mul3A_25 = arith.constant 10000 : i32
      %mul3A_26 = vector.broadcast %mul3A_25 : i32 to vector<16xi32>
      %mul3A_27 = arith.muli %get3A_13, %mul3A_26 : vector<16xi32>
      %add3A_28 = arith.addi %mul3A_27, %get3A_15 : vector<16xi32>
      %swap3A = arith.index_cast %mul3A_12 : i32 to index
      %swap3A_29 = tpu.vector_load %arg14[%swap3A] {strides = array<i32>} : memref<10000xi32, #tpu.memory_space<vmem>>, vector<16xi32>,
      tpu.vector_store %arg14[%swap3A], %add3A_28 {strides = array<i32>} : memref<10000xi32, #tpu.memory_space<vmem>>, vector<16xi32>,
      %add3A_30 = arith.addf %gather3A_19, %gather3A_24 : vector<16xf32>
      %get3A_31 = arith.index_cast %mul3A_12 : i32 to index
      %get3A_32 = tpu.vector_load %arg13[%get3A_31] {strides = array<i32>} : memref<10000xf32, #tpu.memory_space<vmem>>, vector<16xf32>,
      %add3A_33 = arith.addf %add3A_30, %get3A_32 : vector<16xf32>
      %swap3A_34 = arith.index_cast %mul3A_12 : i32 to index
      %swap3A_35 = tpu.vector_load %arg15[%swap3A_34] {strides = array<i32>} : memref<10000xf32, #tpu.memory_space<vmem>>, vector<16xf32>,
      tpu.vector_store %arg15[%swap3A_34], %add3A_33 {strides = array<i32>} : memref<10000xf32, #tpu.memory_space<vmem>>, vector<16xf32>,
      %scan3A_36 = arith.constant 0 : i32
      scf.yield %scan3A_36 : i32
    }
    %scan3A_8 = arith.constant 625 : i32
    "tpu.region"() ({
      %run_scoped3A = tpu.sem_alloc : memref<!tpu.dma_semaphore, #tpu.memory_space<semaphore_mem>>
      %dma_start3A = tpu.memref_slice %arg7[%mul3A_2] : memref<320000xi32, #tpu.memory_space<hbm>> -> memref<10000xi32, #tpu.memory_space<hbm>>
      %dma_start3A_9 = tpu.memref_slice %arg7[%mul3A_2] : memref<320000xi32, #tpu.memory_space<hbm>> -> memref<10000xi32, #tpu.memory_space<hbm>>
      tpu.enqueue_dma source(%arg14 : memref<10000xi32, #tpu.memory_space<vmem>>) target(%dma_start3A_9 : memref<10000xi32, #tpu.memory_space<hbm>>) target_semaphore(%run_scoped3A : memref<!tpu.dma_semaphore, #tpu.memory_space<semaphore_mem>>)
      %dma_wait3A = tpu.memref_slice %arg7[%mul3A_2] : memref<320000xi32, #tpu.memory_space<hbm>> -> memref<10000xi32, #tpu.memory_space<hbm>>
      %dma_wait3A_10 = tpu.memref_slice %arg7[%mul3A_2] : memref<320000xi32, #tpu.memory_space<hbm>> -> memref<10000xi32, #tpu.memory_space<hbm>>
      tpu.wait_dma2 semaphore(%run_scoped3A : memref<!tpu.dma_semaphore, #tpu.memory_space<semaphore_mem>>) src(%arg14 : memref<10000xi32, #tpu.memory_space<vmem>>) dst(%dma_wait3A_10 : memref<10000xi32, #tpu.memory_space<hbm>>)
      tpu.yield
    }) : () -> ()
    "tpu.region"() ({
      %run_scoped3A = tpu.sem_alloc : memref<!tpu.dma_semaphore, #tpu.memory_space<semaphore_mem>>
      %dma_start3A = tpu.memref_slice %arg8[%mul3A_2] : memref<320000xf32, #tpu.memory_space<hbm>> -> memref<10000xf32, #tpu.memory_space<hbm>>
      %dma_start3A_9 = tpu.memref_slice %arg8[%mul3A_2] : memref<320000xf32, #tpu.memory_space<hbm>> -> memref<10000xf32, #tpu.memory_space<hbm>>
      tpu.enqueue_dma source(%arg15 : memref<10000xf32, #tpu.memory_space<vmem>>) target(%dma_start3A_9 : memref<10000xf32, #tpu.memory_space<hbm>>) target_semaphore(%run_scoped3A : memref<!tpu.dma_semaphore, #tpu.memory_space<semaphore_mem>>)
      %dma_wait3A = tpu.memref_slice %arg8[%mul3A_2] : memref<320000xf32, #tpu.memory_space<hbm>> -> memref<10000xf32, #tpu.memory_space<hbm>>
      %dma_wait3A_10 = tpu.memref_slice %arg8[%mul3A_2] : memref<320000xf32, #tpu.memory_space<hbm>> -> memref<10000xf32, #tpu.memory_space<hbm>>
      tpu.wait_dma2 semaphore(%run_scoped3A : memref<!tpu.dma_semaphore, #tpu.memory_space<semaphore_mem>>) src(%arg15 : memref<10000xf32, #tpu.memory_space<vmem>>) dst(%dma_wait3A_10 : memref<10000xf32, #tpu.memory_space<hbm>>)
      tpu.yield
    }) : () -> ()
    return
  }
}

#map = affine_map<(d0, d1) -> (0)>
module attributes {stable_mosaic.version = 14 : i64} {
  func.func @new_body(%arg0: i32, %arg1: i32, %arg2: memref<100000000xf32, #tpu.memory_space<hbm>>, %arg3: memref<320000xi32, #tpu.memory_space<hbm>>, %arg4: memref<320000xf32, #tpu.memory_space<hbm>>, %arg5: memref<100000000xf32, #tpu.memory_space<hbm>>, %arg6: memref<10000xi32, #tpu.memory_space<vmem>>, %arg7: memref<10000xf32, #tpu.memory_space<vmem>>, %arg8: memref<!tpu.dma_semaphore, #tpu.memory_space<semaphore_mem>>) attributes {dimension_semantics = [#tpu.dimension_semantics<core_parallel>, #tpu.dimension_semantics<subcore_parallel>], iteration_bounds = array<i64: 2, 16>, scalar_prefetch = 0 : i64, scratch_operands = 3 : i64, tpu.core_type = #tpu.core_type<sc_vector_subcore>, window_params = [{transform_indices = #map}, {transform_indices = #map}, {transform_indices = #map}, {transform_indices = #map}]} {
    %mul3A = arith.constant 2 : i32
    %mul3A_0 = arith.muli %arg1, %mul3A : i32
    %add3A = arith.addi %mul3A_0, %arg0 : i32
    %mul3A_1 = arith.constant 10000 : i32
    %mul3A_2 = arith.muli %add3A, %mul3A_1 : i32
    "tpu.region"() ({
      %run_scoped3A = tpu.sem_alloc : memref<!tpu.dma_semaphore, #tpu.memory_space<semaphore_mem>>
      %dma_start3A_5 = tpu.memref_slice %arg3[%mul3A_2] : memref<320000xi32, #tpu.memory_space<hbm>> -> memref<10000xi32, #tpu.memory_space<hbm>>
      %dma_start3A_6 = tpu.memref_slice %arg3[%mul3A_2] : memref<320000xi32, #tpu.memory_space<hbm>> -> memref<10000xi32, #tpu.memory_space<hbm>>
      tpu.enqueue_dma source(%dma_start3A_6 : memref<10000xi32, #tpu.memory_space<hbm>>) target(%arg6 : memref<10000xi32, #tpu.memory_space<vmem>>) target_semaphore(%run_scoped3A : memref<!tpu.dma_semaphore, #tpu.memory_space<semaphore_mem>>)
      %dma_wait3A_7 = tpu.memref_slice %arg3[%mul3A_2] : memref<320000xi32, #tpu.memory_space<hbm>> -> memref<10000xi32, #tpu.memory_space<hbm>>
      %dma_wait3A_8 = tpu.memref_slice %arg3[%mul3A_2] : memref<320000xi32, #tpu.memory_space<hbm>> -> memref<10000xi32, #tpu.memory_space<hbm>>
      tpu.wait_dma2 semaphore(%run_scoped3A : memref<!tpu.dma_semaphore, #tpu.memory_space<semaphore_mem>>) src(%dma_wait3A_8 : memref<10000xi32, #tpu.memory_space<hbm>>) dst(%arg6 : memref<10000xi32, #tpu.memory_space<vmem>>)
      tpu.yield
    }) : () -> ()
    "tpu.region"() ({
      %run_scoped3A = tpu.sem_alloc : memref<!tpu.dma_semaphore, #tpu.memory_space<semaphore_mem>>
      %dma_start3A_5 = tpu.memref_slice %arg4[%mul3A_2] : memref<320000xf32, #tpu.memory_space<hbm>> -> memref<10000xf32, #tpu.memory_space<hbm>>
      %dma_start3A_6 = tpu.memref_slice %arg4[%mul3A_2] : memref<320000xf32, #tpu.memory_space<hbm>> -> memref<10000xf32, #tpu.memory_space<hbm>>
      tpu.enqueue_dma source(%dma_start3A_6 : memref<10000xf32, #tpu.memory_space<hbm>>) target(%arg7 : memref<10000xf32, #tpu.memory_space<vmem>>) target_semaphore(%run_scoped3A : memref<!tpu.dma_semaphore, #tpu.memory_space<semaphore_mem>>)
      %dma_wait3A_7 = tpu.memref_slice %arg4[%mul3A_2] : memref<320000xf32, #tpu.memory_space<hbm>> -> memref<10000xf32, #tpu.memory_space<hbm>>
      %dma_wait3A_8 = tpu.memref_slice %arg4[%mul3A_2] : memref<320000xf32, #tpu.memory_space<hbm>> -> memref<10000xf32, #tpu.memory_space<hbm>>
      tpu.wait_dma2 semaphore(%run_scoped3A : memref<!tpu.dma_semaphore, #tpu.memory_space<semaphore_mem>>) src(%dma_wait3A_8 : memref<10000xf32, #tpu.memory_space<hbm>>) dst(%arg7 : memref<10000xf32, #tpu.memory_space<vmem>>)
      tpu.yield
    }) : () -> ()
    %dma_start3A = arith.constant 0 : i32
    %dma_start3A_3 = tpu.memref_slice %arg2[%dma_start3A] : memref<100000000xf32, #tpu.memory_space<hbm>> -> memref<100000000xf32, #tpu.memory_space<hbm>>
    tpu.enqueue_indirect_dma source(%arg7 : memref<10000xf32, #tpu.memory_space<vmem>>) target(%dma_start3A_3 : memref<100000000xf32, #tpu.memory_space<hbm>>) offsets(%arg6 : memref<10000xi32, #tpu.memory_space<vmem>>) semaphore(%arg8 : memref<!tpu.dma_semaphore, #tpu.memory_space<semaphore_mem>>)
    %dma_wait3A = arith.constant 0 : i32
    %dma_wait3A_4 = tpu.memref_slice %arg2[%dma_wait3A] : memref<100000000xf32, #tpu.memory_space<hbm>> -> memref<100000000xf32, #tpu.memory_space<hbm>>
    tpu.wait_indirect_dma semaphore(%arg8 : memref<!tpu.dma_semaphore, #tpu.memory_space<semaphore_mem>>) src(%arg7 : memref<10000xf32, #tpu.memory_space<vmem>>) dst(%dma_wait3A_4 : memref<100000000xf32, #tpu.memory_space<hbm>>)
    return
  }
}

module attributes {stable_mosaic.version = 14 : i64} {
  func.func @_linear_parts_kernel(%arg0: memref<10000x128xf32, #tpu.memory_space<vmem>>, %arg1: memref<2x128xf32, #tpu.memory_space<vmem>>, %arg2: memref<1x320000xf32, #tpu.memory_space<vmem>>, %arg3: memref<1x2xf32, #tpu.memory_space<smem>>, %arg4: memref<1x10000xf32, #tpu.memory_space<vmem>>, %arg5: memref<1x10000xf32, #tpu.memory_space<vmem>>, %arg6: memref<2500x128xf32, #tpu.memory_space<vmem>>) attributes {dimension_semantics = [], scalar_prefetch = 0 : i64, scratch_operands = 0 : i64, tpu.core_type = #tpu.core_type<tc>} {
    %get3A = arith.constant 0 : index
    %get3A_0 = arith.constant 0 : index
    %get3A_1 = vector.load %arg1[%get3A, %get3A_0] : memref<2x128xf32, #tpu.memory_space<vmem>>, vector<2x128xf32>
    %get3A_2 = arith.constant 0 : index
    %get3A_3 = arith.constant 0 : index
    %get3A_4 = vector.load %arg0[%get3A_2, %get3A_3] : memref<10000x128xf32, #tpu.memory_space<vmem>>, vector<10000x128xf32>
    %dot_general3A = arith.constant dense<0.000000e+00> : vector<2x10000xf32>
    %dot_general3A_5 = tpu.matmul %get3A_1, %get3A_4, %dot_general3A {dimension_numbers = #tpu.dot_dimension_numbers<[1], [1], [0], [0], [0, 0, 1, 0], [], []>, transpose_lhs_hint = false} : vector<2x128xf32>, vector<10000x128xf32>, vector<2x10000xf32> -> vector<2x10000xf32>
    %slice3A = vector.extract_strided_slice %dot_general3A_5 {offsets = [0, 0], sizes = [1, 10000], strides = [1, 1]} : vector<2x10000xf32> to vector<1x10000xf32>
    %swap3A = arith.constant 0 : index
    %swap3A_6 = arith.constant 0 : index
    %swap3A_7 = vector.load %arg4[%swap3A, %swap3A_6] : memref<1x10000xf32, #tpu.memory_space<vmem>>, vector<1x10000xf32>
    tpu.vector_store %arg4[%swap3A, %swap3A_6], %slice3A {strides = array<i32>} : memref<1x10000xf32, #tpu.memory_space<vmem>>, vector<1x10000xf32>,
    %slice3A_8 = vector.extract_strided_slice %dot_general3A_5 {offsets = [1, 0], sizes = [1, 10000], strides = [1, 1]} : vector<2x10000xf32> to vector<1x10000xf32>
    %swap3A_9 = arith.constant 0 : index
    %swap3A_10 = arith.constant 0 : index
    %swap3A_11 = vector.load %arg5[%swap3A_9, %swap3A_10] : memref<1x10000xf32, #tpu.memory_space<vmem>>, vector<1x10000xf32>
    tpu.vector_store %arg5[%swap3A_9, %swap3A_10], %slice3A_8 {strides = array<i32>} : memref<1x10000xf32, #tpu.memory_space<vmem>>, vector<1x10000xf32>,
    %get3A_12 = arith.constant 0 : index
    %get3A_13 = arith.constant 0 : index
    %get3A_14 = vector.load %arg2[%get3A_12, %get3A_13] : memref<1x320000xf32, #tpu.memory_space<vmem>>, vector<1x320000xf32>
    %get3A_15 = arith.constant 0 : index
    %get3A_16 = arith.constant 0 : index
    %get3A_17 = memref.load %arg3[%get3A_15, %get3A_16] : memref<1x2xf32, #tpu.memory_space<smem>>
    %mul3A = vector.broadcast %get3A_17 : f32 to vector<1x320000xf32>
    %mul3A_18 = arith.mulf %get3A_14, %mul3A : vector<1x320000xf32>
    %get3A_19 = arith.constant 0 : index
    %get3A_20 = arith.constant 1 : index
    %get3A_21 = memref.load %arg3[%get3A_19, %get3A_20] : memref<1x2xf32, #tpu.memory_space<smem>>
    %add3A = vector.broadcast %get3A_21 : f32 to vector<1x320000xf32>
    %add3A_22 = arith.addf %mul3A_18, %add3A : vector<1x320000xf32>
    %reshape3A = vector.shape_cast %add3A_22 : vector<1x320000xf32> to vector<2500x128xf32>
    %swap3A_23 = arith.constant 0 : index
    %swap3A_24 = arith.constant 0 : index
    %swap3A_25 = vector.load %arg6[%swap3A_23, %swap3A_24] : memref<2500x128xf32, #tpu.memory_space<vmem>>, vector<2500x128xf32>
    tpu.vector_store %arg6[%swap3A_23, %swap3A_24], %reshape3A {strides = array<i32>} : memref<2500x128xf32, #tpu.memory_space<vmem>>, vector<2500x128xf32>,
    return
  }
}

module attributes {stable_mosaic.version = 14 : i64} {
  func.func @_fill_kernel(%arg0: i32, %arg1: memref<2097152xf32, #tpu.memory_space<vmem>>) attributes {dimension_semantics = [#tpu.dimension_semantics<arbitrary>], iteration_bounds = array<i64: 48>, scalar_prefetch = 0 : i64, scratch_operands = 0 : i64, tpu.core_type = #tpu.core_type<tc>, window_params = [{transform_indices = @transform_0, window_bounds = array<i64: 2097152>}]} {
    %broadcast_in_dim3A = arith.constant 0xFF800000 : f32
    %broadcast_in_dim3A_0 = vector.broadcast %broadcast_in_dim3A : f32 to vector<2097152xf32>
    %swap3A = arith.constant 0 : index
    %swap3A_1 = vector.load %arg1[%swap3A] : memref<2097152xf32, #tpu.memory_space<vmem>>, vector<2097152xf32>
    tpu.vector_store %arg1[%swap3A], %broadcast_in_dim3A_0 {strides = array<i32>} : memref<2097152xf32, #tpu.memory_space<vmem>>, vector<2097152xf32>,
    return
  }
  func.func @transform_0(%arg0: i32) -> i32 {
    %c0_i32 = arith.constant 0 : i32
    return %arg0 : i32
  }
}

</mosaic_0001>

<sc_bundles>
// kernel: kernel.6.cloned.1.call-start
scs
__scs_entry_jumppad:
0x0: {  	(pc) =	sbr.rel $0x88, $3  }
0x1: {  	(tag) =	ssettag $0x0;
	lr =	simm.s32 $0x1  }
0x2: {  	[smem:$0x3F9B] =	sst lr;
	_ =	strace $0xD0000000  }
0x3: {  	_ = 	snop  }
0x4: {  	_ = 	snop  }
0x5: {  	_ = 	snop  }
0x6: {  	_ = 	snop  }
0x7: {  	_ = 	snop  }
__scs_overlays_trampoline_lowered:
0x8: {  	[smem:$0x3FAA] =	sst s0  }
0x9: {  	[smem:$0x3FAB] =	sst s1  }
0xa: {  	[smem:$0x3FAC] =	sst s2  }
0xb: {  	[smem:$0x3FAD] =	sst s3  }
0xc: {  	[smem:$0x3FAE] =	sst s4  }
0xd: {  	[smem:$0x3FAF] =	sst s5  }
0xe: {  	[smem:$0x3FB0] =	sst s6  }
0xf: {  	[smem:$0x3FB1] =	sst s7  }
0x10: {  	[smem:$0x3FB2] =	sst s8  }
0x11: {  	[smem:$0x3FB3] =	sst s9;
	s0 =	simm.s32 @!p0 $0x0  }
0x12: {  	s1 =	sld [smem:$0x3F99];
	s0 =	simm.s32 @p0 $0x1  }
0x13: {  	[smem:$0x3FB4] =	sst s0;
	s0 =	simm.s32 @!p1 $0x0  }
0x14: {  	s2 =	sld [smem:$0x3F98];
	s0 =	simm.s32 @p1 $0x1  }
0x15: {  	[smem:$0x3FB5] =	sst s0;
	s0 =	simm.s32 @!p2 $0x0  }
0x16: {  	s3 =	sld [smem:$0x3FDB];
	s0 =	simm.s32 @p2 $0x1  }
0x17: {  	s4 =	simm.s32 $0x1BF5;
	[smem:$0x3FB7] =	sst s0  }
0x18: {  	s0 =	sld [smem:$0x3F9A];
	_ =	swait.ge [sflag:s4], $0x0  }
0x19: {  	s7 =	sld [smem:$0x3F9B]  }
0x1a: {  	s8 =	sadd.s32 $0xFFFFE003, lr  }
0x1b: {  	s9 =	sadd.s32 $0xFFFFFEF7, lr;
	s5 =	simm.s32 $0xFFFFFFFF;
	p2 =	slt.u32 s8, $0xFFFFF086  }
0x1c: {  	p1 =	slt.u32 s9, $0xF7A;
	s5 =	simm.s32 @!p2 $0x0  }
0x1d: {  	s5 =	simm.s32 @p1 $0x1;
	p0 =	seq.s32 s7, s2  }
0x1e: {  	s7 =	smul.u32 @!p0 $0xF7A, s2;
	p2 =	seq.s32 @!p0 s5, $0x0  }
0x1f: {  	s9 =	smul.u32 $0xF7A, s1;
	s8 =	simm.s32 @!p0 $0x1BF5;
	p2 =	por !p2, p0  }
0x20: {  	[sflag:s8] =	ssyncset.s32 @!p0 $0xFFFFF086;
	s6 =	sadd.s32 @!p0 s3, s7;
	s7 =	simm.s32 @!p0 $0x108  }
0x21: {  	s3 =	sadd.s32 s3, s9;
	s6 =	sadd.s32 @!p0 $0x88, s6;
	s7 =	simm.s32 @p2 $0x1082  }
0x22: {  	[simem:s7], [sflag:s8] =	dma.local @!p0 [hbm:s6], $0xF7A  }
0x23: {  	s9 =	sor.u32 $0xD0000000, s2;
	s6 =	simm.s32 $0x108;
	_ =	swait.ge @!p0 [sflag:s8], $0x0  }
0x24: {  	s3 =	sadd.s32 $0x88, s3;
	s6 =	simm.s32 @!p1 $0x1082;
	[sflag:s4] =	ssyncset.s32 $0xFFFFF086  }
0x25: {  	[simem:s6], [sflag:s4] =	dma.local [hbm:s3], $0xF7A  }
0x26: {  	[smem:$0x3F9B] =	sst s1;
	(tag) =	ssettag s2;
	_ =	strace s9  }
0x27: {  	s1 =	sld [smem:$0x3FAB]  }
0x28: {  	s2 =	sld [smem:$0x3FAC]  }
0x29: {  	s4 =	sld [smem:$0x3FAE]  }
0x2a: {  	p0 =	seq.s32 s5, $0x0;
	s5 =	sld [smem:$0x3FAF]  }
0x2b: {  	s6 =	sld [smem:$0x3FB0]  }
0x2c: {  	s7 =	sld [smem:$0x3FB1]  }
0x2d: {  	s3 =	simm.s32 $0x108;
	s8 =	sld [smem:$0x3FB2]  }
0x2e: {  	s3 =	simm.s32 @!p0 $0x1082;
	s9 =	sld [smem:$0x3FB3]  }
0x2f: {  	lr =	sadd.s32 s0, s3;
	s0 =	sld [smem:$0x3FAA]  }
0x30: {  	s3 =	sld [smem:$0x3FAD]  }
0x31: {  	[smem:$0x3FB6] =	sst s10  }
0x32: {  	s10 =	sld [smem:$0x3FB4];
	_ =	sdelay $0x3  }
0x33: {  	p0 =	seq.s32 s10, $0x1;
	s10 =	sld [smem:$0x3FB6];
	_ =	sdelay $0x3  }
0x34: {  	[smem:$0x3FB6] =	sst s10  }
0x35: {  	s10 =	sld [smem:$0x3FB5];
	_ =	sdelay $0x3  }
0x36: {  	p1 =	seq.s32 s10, $0x1;
	s10 =	sld [smem:$0x3FB6];
	_ =	sdelay $0x3  }
0x37: {  	[smem:$0x3FB6] =	sst s10  }
0x38: {  	s10 =	sld [smem:$0x3FB7]  }
0x39: {  	_ = 	snop;
	(pc) =	sbr.ind lr, $3  }
0x3a: {  	_ = 	snop  }
0x3b: {  	_ = 	snop  }
0x3c: {  	p2 =	seq.s32 s10, $0x1;
	s10 =	sld [smem:$0x3FB6]  }
0x3d: {  	_ =	shalt  }
0x3e: {  	_ =	shalt  }
0x3f: {  	_ =	shalt  }
0x40: {  	_ =	shalt  }
0x41: {  	_ =	shalt  }
0x42: {  	_ =	shalt  }
0x43: {  	_ =	shalt  }
0x44: {  	_ =	shalt  }
0x45: {  	_ =	shalt  }
0x46: {  	_ =	shalt  }
0x47: {  	_ =	shalt  }
0x48: {  	_ =	shalt  }
0x49: {  	_ =	shalt  }
0x4a: {  	_ =	shalt  }
0x4b: {  	_ =	shalt  }
0x4c: {  	_ =	shalt  }
0x4d: {  	_ =	shalt  }
0x4e: {  	_ =	shalt  }
0x4f: {  	_ =	shalt  }
0x50: {  	_ =	shalt  }
0x51: {  	_ =	shalt  }
0x52: {  	_ =	shalt  }
0x53: {  	_ =	shalt  }
0x54: {  	_ =	shalt  }
0x55: {  	_ =	shalt  }
0x56: {  	_ =	shalt  }
0x57: {  	_ =	shalt  }
0x58: {  	_ =	shalt  }
0x59: {  	_ =	shalt  }
0x5a: {  	_ =	shalt  }
0x5b: {  	_ =	shalt  }
0x5c: {  	_ =	shalt  }
0x5d: {  	_ =	shalt  }
0x5e: {  	_ =	shalt  }
0x5f: {  	_ =	shalt  }
0x60: {  	_ =	shalt  }
0x61: {  	_ =	shalt  }
0x62: {  	_ =	shalt  }
0x63: {  	_ =	shalt  }
0x64: {  	_ =	shalt  }
0x65: {  	_ =	shalt  }
0x66: {  	_ =	shalt  }
0x67: {  	_ =	shalt  }
0x68: {  	_ =	shalt  }
0x69: {  	_ =	shalt  }
0x6a: {  	_ =	shalt  }
0x6b: {  	_ =	shalt  }
0x6c: {  	_ =	shalt  }
0x6d: {  	_ =	shalt  }
0x6e: {  	_ =	shalt  }
0x6f: {  	_ =	shalt  }
0x70: {  	_ =	shalt  }
0x71: {  	_ =	shalt  }
0x72: {  	_ =	shalt  }
0x73: {  	_ =	shalt  }
0x74: {  	_ =	shalt  }
0x75: {  	_ =	shalt  }
0x76: {  	_ =	shalt  }
0x77: {  	_ =	shalt  }
0x78: {  	_ =	shalt  }
0x79: {  	_ =	shalt  }
0x7a: {  	_ =	shalt  }
0x7b: {  	_ =	shalt  }
0x7c: {  	_ =	shalt  }
0x7d: {  	_ =	shalt  }
0x7e: {  	_ =	shalt  }
0x7f: {  	_ =	shalt  }
0x80: {  	_ =	shalt  }
0x81: {  	_ =	shalt  }
0x82: {  	_ =	shalt  }
0x83: {  	_ =	shalt  }
0x84: {  	_ =	shalt  }
0x85: {  	_ =	shalt  }
0x86: {  	_ =	shalt  }
0x87: {  	_ =	shalt  }
.Lfunc_end0:
.L_simem_size_0:
called_computation_lowered:
.L_overlay_start_0:
0x88: {  	s2 =	sld [smem:$0x3FD9]  }
0x89: {  	s3 =	sld [smem:$0x3FFE];
	_ =	sdelay $0x1  }
0x8a: {  	s1 =	srdreg.scid  }
0x8b: {  	s0 =	sand.u32 $0x1, s1  }
0x8c: {  	s17 =	sshll.u32 s0, $0xA;
	s2 =	sadd.s32 s3, s2  }
0x8d: {  	s2 =	sadd.s32 s2, s17  }
0x8e: {  	[smem:$0x3FC2] =	sst s2  }
0x8f: {  	_ = 	snop  }
0x90: {  	s2 =	sld [smem:$0x3FC8]  }
0x91: {  	s18 =	sld [smem:$0x3FC7]  }
0x92: {  	s4 =	sld [smem:$0x3FD0];
	(tm) =	ssettm $0x1  }
0x93: {  	s5 =	sld [smem:$0x3FFB];
	_ =	sdelay $0x3  }
0x94: {  	_ =	strace s5  }
0x95: {  	s5 =	sld [smem:$0x3FFC];
	_ =	sdelay $0x3  }
0x96: {  	_ =	strace s5  }
0x97: {  	s5 =	sld [smem:$0x3FFD];
	_ =	sdelay $0x3  }
0x98: {  	_ =	strace s5  }
0x99: {  	_ =	strace $0x8FFFFFFF  }
0x9a: {  	s19 =	sld [smem:$0x3FDB];
	_ =	sdelay $0x1  }
0x9b: {  	s6 =	simm.s32 $_scs_section_size  }
0x9c: {  	s7 =	simm.s32 $_size__tile_overlayer_lowered;
	s8 =	simm.s32 $_tile_overlayer_lowered  }
0x9d: {  	s22 =	simm.s32 $0x1BFF;
	s21 =	sshll.u32 s8, $0x1;
	s5 =	sadd.s32 s6, s19  }
0x9e: {  	s9 =	simm.s32 $0x0;
	s20 =	sshll.u32 s7, $0x1;
	s7 =	sadd.s32 s21, s5  }
0x9f: {  	[timem:s9], [sflag:s22] =	dma.local [hbm:s7], s20  }
0xa0: {  	_ =	swait.ge [sflag:s22], s20  }
0xa1: {  	s6 =	ssub.s32 $0x0, s20;
	[sflag:s22] =	ssyncset.done $0x0  }
0xa2: {  	[sflag:s22] =	ssyncadd.s32 s6;
	_ =	sdelay $0x1  }
0xa3: {  	s23 =	simm.s32 $0x1B8B  }
0xa4: {  	_ =	swait.ge [sflag:s23], $0x1  }
0xa5: {  	[sflag:s23] =	ssyncset.done $0x0  }
0xa6: {  	s25 =	simm.s32 $0x1B8E;
	s24 =	sld [smem:$0x3FFE];
	[sflag:s23] =	ssyncadd.s32 $0xFFFFFFFF  }
0xa7: {  	s26 =	simm.s32 $execute0_lowered;
	[smem:$0x3FD2] =	sst s25  }
0xa8: {  	s7 =	sshll.u32 s26, $0x1;
	_ =	strace $0x80000046;
	[dreg:$0x1] =	wrdreg $0xFFFFFFFF  }
0xa9: {  	s28 =	simm.s32 $_size_execute0_lowered;
	s5 =	sadd.s32 s5, s7;
	[dreg:$0x0] =	wrdreg $0x0  }
0xaa: {  	s7 =	sshll.u32 s28, $0x1;
	[dreg:$0x2] =	wrdreg s5  }
0xab: {  	[dreg:$0x3] =	wrdreg s7  }
0xac: {  	[dreg:$0x4] =	wrdreg $0xC0  }
0xad: {  	_ =	task [dreg:s9], $0x5FFFF  }
0xae: {  	[dreg:$0x1] =	wrdreg $0xFFFFFFFF  }
0xaf: {  	[dreg:$0x0] =	wrdreg $0x60  }
0xb0: {  	[dreg:$0x2] =	wrdreg s24  }
0xb1: {  	[dreg:$0x3] =	wrdreg s4  }
0xb2: {  	[dreg:$0x4] =	wrdreg s2  }
0xb3: {  	[dreg:$0x5] =	wrdreg s18  }
0xb4: {  	[dreg:$0x6] =	wrdreg $0x9  }
0xb5: {  	_ =	task.clear_ibuf [dreg:s9], $0x7FFFF;
	_ =	strace $0x90000046  }
0xb6: {  	s29 =	simm.s32 $0x9;
	_ =	strace $0x80000048  }
0xb7: {  	_ =	swait.ge [sflag:s29], $0x1  }
0xb8: {  	[sflag:s29] =	ssyncadd.s32 $0xFFFFFFFF  }
0xb9: {  	_ =	strace $0x90000048  }
0xba: {  	_ =	sfence  }
0xbb: {  	s30 =	sld [smem:$0x0];
	_ =	sdelay $0x2  }
0xbc: {  	s31 =	sshll.u32 s1, $0xD;
	s1 =	sshrl.u32 s1, $0x2  }
0xbd: {  	s3 =	sand.u32 $0x4000, s31;
	s1 =	sadd.s32 s1, s30  }
0xbe: {  	s0 =	sor.u32 s3, s0;
	s1 =	sshll.u32 s1, $0x11  }
0xbf: {  	s0 =	sor.u32 s1, s0  }
0xc0: {  	s0 =	sadd.s32 $0x8F2B, s0  }
0xc1: {  	[sflag:s0] =	ssyncadd.remote.s32 $0x1  }
0xc2: {  	_ =	sfence.sel $0xFFFF  }
0xc3: {  	[dreg:$0x0] =	wrdreg $0xFFFFFFFF;
	(pc) =	sbr.abs _section_cstart, $3  }
0xc4: {  	[dreg:$0x1] =	wrdreg $0xFFFFFFFF  }
0xc5: {  	_ =	task.clear_ibuf [dreg:s9], $0x2FFFF;
	_ =	strace $0x9FFFFFFF  }
0xc6: {  	(tm) =	ssettm $0x7FFFFFFF  }
0xc7: {  	_ =	shalt  }
tec
execute0_lowered:
.L_overlay_start_1:
0x0: {  	(tag) =	ssettag $0x1  }
0x1: {  	s5 =	rddreg [dreg:$0x0]  }
0x2: {  	s7 =	rddreg [dreg:$0x1]  }
0x3: {  	s6 =	rddreg [dreg:$0x2];
	s1 =	srdreg.scid  }
0x4: {  	s0 =	stileid.u32;
	s8 =	rddreg [dreg:$0x3];
	s2 =	simm.s32 $0x0  }
0x5: {  	s12 =	simm.s32 $0x2780;
	s13 =	simm.s32 $0x4F00;
	s14 =	simm.s32 $0x7680  }
0x6: {  	s15 =	simm.s32 $0x9E00;
	s16 =	simm.s32 $0xC580;
	s17 =	simm.s32 $0xED00  }
0x7: {  	s4 =	sand.u32 $0x1, s1;
	s3 =	sshll.u32 s0, $0x1;
	s1 =	rddreg [dreg:$0x4]  }
0x8: {  	s18 =	simm.s32 $0x0;
	[smem:$0x7FF] =	sst s2;
	s3 =	sor.u32 s4, s3  }
0x9: {  	_ =	strace $0x80000047;
	s10 =	ssub.s32 $0x2, s4;
	s9 =	smul.u32 $0x4E2, s3  }
0xa: {  	s4 =	sadd.s32 $0x1E00, s5;
	s3 =	sadd.s32 $0x1800, s5;
	s31 =	sshrl.u32 s10, $0x1  }
0xb: {  	s10 =	ssub.s32 s10, s31;
	s11 =	sadd.s32 s9, s5;
	s5 =	sadd.s32 s6, s9  }
0xc: {  	s6 =	sadd.s32 s8, s9;
	s7 =	sadd.s32 s7, s9;
	s10 =	smax.u32 s10, $0x1  }
0xd: {  	s8 =	sadd.s32 $0x2400, s11;
	s9 =	sadd.s32 $0xC200, s11;
	s11 =	simm.s32 $0x1  }
.LBB2_1:
0xe: {  	[tilespmem:s2], [sflag:$0x1] =	stream.linear.gather [hbm4b:s3+s2], $0x2780, $0x38;
	[tilespmem:$0x11480] =	vst v63  }
0xf: {  	_ =	swait.ge [sflag:s11], $0x2780  }
0x10: {  	[sflag:s11] =	ssyncset.done $0x0  }
0x11: {  	[sflag:s11] =	ssyncadd.s32 $0xFFFFD880  }
0x12: {  	[tilespmem:s12], [sflag:$0x1] =	stream.linear.gather [hbm4b:s4+s2], $0x2780, $0x38;
	[tilespmem:$0x11480] =	vst v63  }
0x13: {  	_ =	swait.ge [sflag:s11], $0x2780  }
0x14: {  	[sflag:s11] =	ssyncset.done $0x0  }
0x15: {  	[sflag:s11] =	ssyncadd.s32 $0xFFFFD880  }
0x16: {  	[tilespmem:s13], [sflag:$0x1] =	stream.linear.gather [hbm4b:s5+s2], $0x2710, $0x38;
	[tilespmem:$0x11480] =	vst v63  }
0x17: {  	_ =	swait.ge [sflag:s11], $0x2710  }
0x18: {  	[sflag:s11] =	ssyncset.done $0x0  }
0x19: {  	[sflag:s11] =	ssyncadd.s32 $0xFFFFD8F0  }
0x1a: {  	[tilespmem:s14], [sflag:$0x1] =	stream.linear.gather [hbm4b:s6+s2], $0x2710, $0x38;
	[tilespmem:$0x11480] =	vst v63  }
0x1b: {  	_ =	swait.ge [sflag:s11], $0x2710  }
0x1c: {  	[sflag:s11] =	ssyncset.done $0x0  }
0x1d: {  	[sflag:s11] =	ssyncadd.s32 $0xFFFFD8F0  }
0x1e: {  	[tilespmem:s15], [sflag:$0x1] =	stream.linear.gather [hbm4b:s7+s2], $0x2710, $0x38;
	[tilespmem:$0x11480] =	vst v63  }
0x1f: {  	_ =	swait.ge [sflag:s11], $0x2710  }
0x20: {  	[sflag:s11] =	ssyncset.done $0x0  }
0x21: {  	s19 =	simm.s32 $0x0;
	[sflag:s11] =	ssyncadd.s32 $0xFFFFD8F0  }
0x22: {  	v0 =	vld [tilespmem:s19+$0x4F00]  }
0x23: {  	v1 =	vld [tilespmem:s19+$0x7680];
	_ =	sdelay $0x5  }
0x24: {  	v2 =	vmul.u32 $0x2710, v0  }
0x25: {  	v0 =	vld.idx.msk [tilespmem:v0+s2+$0x0], $0xffff  }
0x26: {  	v3 =	vadd.s32 v1, v2;
	v2 =	vld.idx.msk [tilespmem:v1+s12+$0x0], $0xffff  }
0x27: {  	s20 =	simm.s32 $0x10;
	[tilespmem:s19+$0xC580] =	vst v3;
	v3 =	vld [tilespmem:s19+$0x9E00]  }
0x28: {  	s21 =	simm.s32 $0x80;
	v1 =	vld [tilespmem:s20+$0x4F00]  }
.LBB2_2:
0x29: {  	p0 =	sne.s32 s21, $0x9C00;
	v4 =	vld [tilespmem:s20+$0x7680];
	_ =	sdelay $0x1  }
0x2a: {  	v0 =	vadd.f32 v2, v0;
	_ =	sdelay $0x1  }
0x2b: {  	v0 =	vadd.f32 v3, v0  }
0x2c: {  	v2 =	vmul.u32 $0x2710, v1  }
0x2d: {  	[tilespmem:s19+$0xED00] =	vst v0;
	s19 =	smov.u32 s20  }
.Ltmp0:
0x2e: {  	v0 =	vld.idx.msk [tilespmem:v1+s2+$0x0], $0xffff;
	v1 =	vadd.s32 v4, v2;
	(pc) =	sbr.rel @p0 .LBB2_2-.Ltmp0, $3  }
0x2f: {  	v2 =	vld.idx.msk [tilespmem:v4+s12+$0x0], $0xffff;
	[tilespmem:s19+$0xC580] =	vst v1;
	_ =	sdelay $0x1  }
0x30: {  	s20 =	sshra.s32 s21, $0x2;
	v3 =	vld [tilespmem:s19+$0x9E00]  }
0x31: {  	s21 =	sadd.s32 $0x40, s21;
	v1 =	vld [tilespmem:s20+$0x4F00]  }
0x32: {  	_ = 	snop  }
0x33: {  	v4 =	vld [tilespmem:s20+$0x7680];
	_ =	sdelay $0x1  }
0x34: {  	v0 =	vadd.f32 v2, v0;
	_ =	sdelay $0x1  }
0x35: {  	v0 =	vadd.f32 v3, v0;
	_ =	sdelay $0x1  }
0x36: {  	[tilespmem:s19+$0xED00] =	vst v0  }
0x37: {  	v0 =	vld.idx.msk [tilespmem:v1+s2+$0x0], $0xffff  }
0x38: {  	v62 =	vld.idx.msk [tilespmem:v4+s12+$0x0], $0xffff;
	_ =	sdelay $0x1  }
0x39: {  	v63 =	vld [tilespmem:s20+$0x9E00];
	_ =	sdelay $0x2  }
0x3a: {  	v60 =	vmul.u32 $0x2710, v1;
	v0 =	vadd.f32 v62, v0;
	_ =	sdelay $0x1  }
0x3b: {  	v61 =	vadd.s32 v4, v60;
	v0 =	vadd.f32 v63, v0  }
0x3c: {  	[tilespmem:s20+$0xC580] =	vst v61  }
0x3d: {  	[tilespmem:s20+$0xED00] =	vst v0  }
0x3e: {  	[hbm4b:s8+s2] =	stream.linear.scatter [tilespmem:s16], [sflag:$0x1], $0x2710, $0x38;
	[tilespmem:$0x11480] =	vst v63  }
0x3f: {  	s18 =	sadd.s32 $0x1, s18;
	_ =	swait.ge [sflag:s11], $0x2710  }
0x40: {  	p0 =	sne.s32 s18, s10;
	[sflag:s11] =	ssyncset.done $0x0  }
.Ltmp1:
0x41: {  	[sflag:s11] =	ssyncadd.s32 $0xFFFFD8F0;
	(pc) =	sbr.rel @p0 .LBB2_1-.Ltmp1, $4  }
0x42: {  	[hbm4b:s9+s2] =	stream.linear.scatter [tilespmem:s17], [sflag:$0x1], $0x2710, $0x38;
	[tilespmem:$0x11480] =	vst v63  }
0x43: {  	_ =	swait.ge [sflag:s11], $0x2710  }
0x44: {  	[sflag:s11] =	ssyncset.done $0x0  }
0x45: {  	[sflag:s11] =	ssyncadd.s32 $0xFFFFD8F0  }
0x46: {  	_ =	sfence.sel $0x180000  }
0x47: {  	[bflag:$0x0] =	sbarrier.arrive $0xFFFF  }
0x48: {  	p0 =	sne.s32 s0, $0x0;
	_ =	strace $0x90000047  }
0x49: {  	s0 =	sadd.s32 @!p0 $0x100000, s1;
	[bflag:$0x2] =	sbarrier.arrive $0xFFFF  }
0x4a: {  	[sflag:s0] =	ssyncadd.tile.s32 @!p0 $0x1;
	_ =	shalt  }
.Lfunc_end2:
_tile_overlayer_lowered:
.L_overlay_start_2:
0x4b: {  	(tag) =	ssettag $0x2  }
0x4c: {  	s0 =	rddreg [dreg:$0x0];
	s2 =	stileid.u32  }
0x4d: {  	s1 =	rddreg [dreg:$0x1];
	p0 =	sne.s32 s2, $0x0  }
0x4e: {  	s3 =	rddreg [dreg:$0x2];
	[bflag:$0x3] =	sbarrier.arrive $0xFFFF;
	s2 =	simm.s32 @!p0 $0x1C01  }
0x4f: {  	[timem:s3], [sflag:s2] =	dma.local @!p0 [hbm:s0], s1  }
0x50: {  	s0 =	simm.s32 @!p0 $0x1  }
0x51: {  	_ =	swait.ge @!p0 [sflag:s0], s1  }
0x52: {  	s1 =	ssub.s32 @!p0 $0x0, s1;
	[sflag:s0] =	ssyncset.done @!p0 $0x0  }
0x53: {  	[sflag:s0] =	ssyncadd.s32 @!p0 s1  }
0x54: {  	[bflag:$0x3] =	sbarrier.arrive $0xFFFF  }
0x55: {  	_ =	shalt  }

// kernel: kernel.9.cloned.1.call-start
scs
__scs_entry_jumppad:
0x0: {  	(pc) =	sbr.rel $0x88, $3  }
0x1: {  	(tag) =	ssettag $0x0;
	lr =	simm.s32 $0x1  }
0x2: {  	[smem:$0x3F9B] =	sst lr;
	_ =	strace $0xD0000000  }
0x3: {  	_ = 	snop  }
0x4: {  	_ = 	snop  }
0x5: {  	_ = 	snop  }
0x6: {  	_ = 	snop  }
0x7: {  	_ = 	snop  }
__scs_overlays_trampoline_lowered:
0x8: {  	[smem:$0x3FAA] =	sst s0  }
0x9: {  	[smem:$0x3FAB] =	sst s1  }
0xa: {  	[smem:$0x3FAC] =	sst s2  }
0xb: {  	[smem:$0x3FAD] =	sst s3  }
0xc: {  	[smem:$0x3FAE] =	sst s4  }
0xd: {  	[smem:$0x3FAF] =	sst s5  }
0xe: {  	[smem:$0x3FB0] =	sst s6  }
0xf: {  	[smem:$0x3FB1] =	sst s7  }
0x10: {  	[smem:$0x3FB2] =	sst s8  }
0x11: {  	[smem:$0x3FB3] =	sst s9;
	s0 =	simm.s32 @!p0 $0x0  }
0x12: {  	s1 =	sld [smem:$0x3F99];
	s0 =	simm.s32 @p0 $0x1  }
0x13: {  	[smem:$0x3FB4] =	sst s0;
	s0 =	simm.s32 @!p1 $0x0  }
0x14: {  	s2 =	sld [smem:$0x3F98];
	s0 =	simm.s32 @p1 $0x1  }
0x15: {  	[smem:$0x3FB5] =	sst s0;
	s0 =	simm.s32 @!p2 $0x0  }
0x16: {  	s3 =	sld [smem:$0x3FDB];
	s0 =	simm.s32 @p2 $0x1  }
0x17: {  	s4 =	simm.s32 $0x1BF5;
	[smem:$0x3FB7] =	sst s0  }
0x18: {  	s0 =	sld [smem:$0x3F9A];
	_ =	swait.ge [sflag:s4], $0x0  }
0x19: {  	s7 =	sld [smem:$0x3F9B]  }
0x1a: {  	s8 =	sadd.s32 $0xFFFFE003, lr  }
0x1b: {  	s9 =	sadd.s32 $0xFFFFFEF7, lr;
	s5 =	simm.s32 $0xFFFFFFFF;
	p2 =	slt.u32 s8, $0xFFFFF086  }
0x1c: {  	p1 =	slt.u32 s9, $0xF7A;
	s5 =	simm.s32 @!p2 $0x0  }
0x1d: {  	s5 =	simm.s32 @p1 $0x1;
	p0 =	seq.s32 s7, s2  }
0x1e: {  	s7 =	smul.u32 @!p0 $0xF7A, s2;
	p2 =	seq.s32 @!p0 s5, $0x0  }
0x1f: {  	s9 =	smul.u32 $0xF7A, s1;
	s8 =	simm.s32 @!p0 $0x1BF5;
	p2 =	por !p2, p0  }
0x20: {  	[sflag:s8] =	ssyncset.s32 @!p0 $0xFFFFF086;
	s6 =	sadd.s32 @!p0 s3, s7;
	s7 =	simm.s32 @!p0 $0x108  }
0x21: {  	s3 =	sadd.s32 s3, s9;
	s6 =	sadd.s32 @!p0 $0x88, s6;
	s7 =	simm.s32 @p2 $0x1082  }
0x22: {  	[simem:s7], [sflag:s8] =	dma.local @!p0 [hbm:s6], $0xF7A  }
0x23: {  	s9 =	sor.u32 $0xD0000000, s2;
	s6 =	simm.s32 $0x108;
	_ =	swait.ge @!p0 [sflag:s8], $0x0  }
0x24: {  	s3 =	sadd.s32 $0x88, s3;
	s6 =	simm.s32 @!p1 $0x1082;
	[sflag:s4] =	ssyncset.s32 $0xFFFFF086  }
0x25: {  	[simem:s6], [sflag:s4] =	dma.local [hbm:s3], $0xF7A  }
0x26: {  	[smem:$0x3F9B] =	sst s1;
	(tag) =	ssettag s2;
	_ =	strace s9  }
0x27: {  	s1 =	sld [smem:$0x3FAB]  }
0x28: {  	s2 =	sld [smem:$0x3FAC]  }
0x29: {  	s4 =	sld [smem:$0x3FAE]  }
0x2a: {  	p0 =	seq.s32 s5, $0x0;
	s5 =	sld [smem:$0x3FAF]  }
0x2b: {  	s6 =	sld [smem:$0x3FB0]  }
0x2c: {  	s7 =	sld [smem:$0x3FB1]  }
0x2d: {  	s3 =	simm.s32 $0x108;
	s8 =	sld [smem:$0x3FB2]  }
0x2e: {  	s3 =	simm.s32 @!p0 $0x1082;
	s9 =	sld [smem:$0x3FB3]  }
0x2f: {  	lr =	sadd.s32 s0, s3;
	s0 =	sld [smem:$0x3FAA]  }
0x30: {  	s3 =	sld [smem:$0x3FAD]  }
0x31: {  	[smem:$0x3FB6] =	sst s10  }
0x32: {  	s10 =	sld [smem:$0x3FB4];
	_ =	sdelay $0x3  }
0x33: {  	p0 =	seq.s32 s10, $0x1;
	s10 =	sld [smem:$0x3FB6];
	_ =	sdelay $0x3  }
0x34: {  	[smem:$0x3FB6] =	sst s10  }
0x35: {  	s10 =	sld [smem:$0x3FB5];
	_ =	sdelay $0x3  }
0x36: {  	p1 =	seq.s32 s10, $0x1;
	s10 =	sld [smem:$0x3FB6];
	_ =	sdelay $0x3  }
0x37: {  	[smem:$0x3FB6] =	sst s10  }
0x38: {  	s10 =	sld [smem:$0x3FB7]  }
0x39: {  	_ = 	snop;
	(pc) =	sbr.ind lr, $3  }
0x3a: {  	_ = 	snop  }
0x3b: {  	_ = 	snop  }
0x3c: {  	p2 =	seq.s32 s10, $0x1;
	s10 =	sld [smem:$0x3FB6]  }
0x3d: {  	_ =	shalt  }
0x3e: {  	_ =	shalt  }
0x3f: {  	_ =	shalt  }
0x40: {  	_ =	shalt  }
0x41: {  	_ =	shalt  }
0x42: {  	_ =	shalt  }
0x43: {  	_ =	shalt  }
0x44: {  	_ =	shalt  }
0x45: {  	_ =	shalt  }
0x46: {  	_ =	shalt  }
0x47: {  	_ =	shalt  }
0x48: {  	_ =	shalt  }
0x49: {  	_ =	shalt  }
0x4a: {  	_ =	shalt  }
0x4b: {  	_ =	shalt  }
0x4c: {  	_ =	shalt  }
0x4d: {  	_ =	shalt  }
0x4e: {  	_ =	shalt  }
0x4f: {  	_ =	shalt  }
0x50: {  	_ =	shalt  }
0x51: {  	_ =	shalt  }
0x52: {  	_ =	shalt  }
0x53: {  	_ =	shalt  }
0x54: {  	_ =	shalt  }
0x55: {  	_ =	shalt  }
0x56: {  	_ =	shalt  }
0x57: {  	_ =	shalt  }
0x58: {  	_ =	shalt  }
0x59: {  	_ =	shalt  }
0x5a: {  	_ =	shalt  }
0x5b: {  	_ =	shalt  }
0x5c: {  	_ =	shalt  }
0x5d: {  	_ =	shalt  }
0x5e: {  	_ =	shalt  }
0x5f: {  	_ =	shalt  }
0x60: {  	_ =	shalt  }
0x61: {  	_ =	shalt  }
0x62: {  	_ =	shalt  }
0x63: {  	_ =	shalt  }
0x64: {  	_ =	shalt  }
0x65: {  	_ =	shalt  }
0x66: {  	_ =	shalt  }
0x67: {  	_ =	shalt  }
0x68: {  	_ =	shalt  }
0x69: {  	_ =	shalt  }
0x6a: {  	_ =	shalt  }
0x6b: {  	_ =	shalt  }
0x6c: {  	_ =	shalt  }
0x6d: {  	_ =	shalt  }
0x6e: {  	_ =	shalt  }
0x6f: {  	_ =	shalt  }
0x70: {  	_ =	shalt  }
0x71: {  	_ =	shalt  }
0x72: {  	_ =	shalt  }
0x73: {  	_ =	shalt  }
0x74: {  	_ =	shalt  }
0x75: {  	_ =	shalt  }
0x76: {  	_ =	shalt  }
0x77: {  	_ =	shalt  }
0x78: {  	_ =	shalt  }
0x79: {  	_ =	shalt  }
0x7a: {  	_ =	shalt  }
0x7b: {  	_ =	shalt  }
0x7c: {  	_ =	shalt  }
0x7d: {  	_ =	shalt  }
0x7e: {  	_ =	shalt  }
0x7f: {  	_ =	shalt  }
0x80: {  	_ =	shalt  }
0x81: {  	_ =	shalt  }
0x82: {  	_ =	shalt  }
0x83: {  	_ =	shalt  }
0x84: {  	_ =	shalt  }
0x85: {  	_ =	shalt  }
0x86: {  	_ =	shalt  }
0x87: {  	_ =	shalt  }
.Lfunc_end0:
.L_simem_size_0:
called_computation.1_lowered:
.L_overlay_start_0:
0x88: {  	s2 =	sld [smem:$0x3FD9]  }
0x89: {  	s3 =	sld [smem:$0x3FFE];
	_ =	sdelay $0x1  }
0x8a: {  	s1 =	srdreg.scid  }
0x8b: {  	s0 =	sand.u32 $0x1, s1  }
0x8c: {  	s16 =	sshll.u32 s0, $0xA;
	s2 =	sadd.s32 s3, s2  }
0x8d: {  	s2 =	sadd.s32 s2, s16  }
0x8e: {  	[smem:$0x3FC2] =	sst s2  }
0x8f: {  	_ = 	snop  }
0x90: {  	(tm) =	ssettm $0x1  }
0x91: {  	s17 =	sld [smem:$0x3FFB];
	_ =	sdelay $0x3  }
0x92: {  	_ =	strace s17  }
0x93: {  	s2 =	sld [smem:$0x3FFC];
	_ =	sdelay $0x3  }
0x94: {  	_ =	strace s2  }
0x95: {  	s2 =	sld [smem:$0x3FFD];
	_ =	sdelay $0x3  }
0x96: {  	_ =	strace s2  }
0x97: {  	_ =	strace $0x8FFFFFFF  }
0x98: {  	s18 =	sld [smem:$0x3FDB];
	_ =	sdelay $0x1  }
0x99: {  	s19 =	simm.s32 $_scs_section_size  }
0x9a: {  	s4 =	simm.s32 $_size__tile_overlayer_lowered;
	s5 =	simm.s32 $_tile_overlayer_lowered  }
0x9b: {  	s22 =	simm.s32 $0x1BFF;
	s21 =	sshll.u32 s5, $0x1;
	s2 =	sadd.s32 s19, s18  }
0x9c: {  	s6 =	simm.s32 $0x0;
	s20 =	sshll.u32 s4, $0x1;
	s4 =	sadd.s32 s21, s2  }
0x9d: {  	[timem:s6], [sflag:s22] =	dma.local [hbm:s4], s20  }
0x9e: {  	_ =	swait.ge [sflag:s22], s20  }
0x9f: {  	s3 =	ssub.s32 $0x0, s20;
	[sflag:s22] =	ssyncset.done $0x0  }
0xa0: {  	[sflag:s22] =	ssyncadd.s32 s3;
	_ =	sdelay $0x1  }
0xa1: {  	s23 =	simm.s32 $0x1B8B  }
0xa2: {  	_ =	swait.ge [sflag:s23], $0x1  }
0xa3: {  	[sflag:s23] =	ssyncset.done $0x0  }
0xa4: {  	s25 =	simm.s32 $0x1B8E;
	s24 =	sld [smem:$0x3FFE];
	[sflag:s23] =	ssyncadd.s32 $0xFFFFFFFF  }
0xa5: {  	s26 =	simm.s32 $execute0_lowered;
	[smem:$0x3FD2] =	sst s25  }
0xa6: {  	s4 =	sshll.u32 s26, $0x1;
	_ =	strace $0x80000049;
	[dreg:$0x1] =	wrdreg $0xFFFFFFFF  }
0xa7: {  	s28 =	simm.s32 $_size_execute0_lowered;
	s2 =	sadd.s32 s2, s4;
	[dreg:$0x0] =	wrdreg $0x0  }
0xa8: {  	s4 =	sshll.u32 s28, $0x1;
	[dreg:$0x2] =	wrdreg s2  }
0xa9: {  	[dreg:$0x3] =	wrdreg s4  }
0xaa: {  	[dreg:$0x4] =	wrdreg $0xC0  }
0xab: {  	_ =	task [dreg:s6], $0x5FFFF  }
0xac: {  	[dreg:$0x1] =	wrdreg $0xFFFFFFFF  }
0xad: {  	[dreg:$0x0] =	wrdreg $0x60  }
0xae: {  	[dreg:$0x2] =	wrdreg s24  }
0xaf: {  	[dreg:$0x3] =	wrdreg $0x9  }
0xb0: {  	_ =	task.clear_ibuf [dreg:s6], $0x4FFFF;
	_ =	strace $0x90000049  }
0xb1: {  	s29 =	simm.s32 $0x9;
	_ =	strace $0x8000004B  }
0xb2: {  	_ =	swait.ge [sflag:s29], $0x1  }
0xb3: {  	[sflag:s29] =	ssyncadd.s32 $0xFFFFFFFF  }
0xb4: {  	_ =	strace $0x9000004B  }
0xb5: {  	_ =	sfence  }
0xb6: {  	s30 =	sld [smem:$0x0];
	_ =	sdelay $0x2  }
0xb7: {  	s31 =	sshll.u32 s1, $0xD;
	s1 =	sshrl.u32 s1, $0x2  }
0xb8: {  	s3 =	sand.u32 $0x4000, s31;
	s1 =	sadd.s32 s1, s30  }
0xb9: {  	s0 =	sor.u32 s3, s0;
	s1 =	sshll.u32 s1, $0x11  }
0xba: {  	s0 =	sor.u32 s1, s0  }
0xbb: {  	s0 =	sadd.s32 $0x8F2B, s0  }
0xbc: {  	[sflag:s0] =	ssyncadd.remote.s32 $0x1  }
0xbd: {  	_ =	sfence.sel $0xFFFF  }
0xbe: {  	[dreg:$0x0] =	wrdreg $0xFFFFFFFF;
	(pc) =	sbr.abs _section_cstart, $3  }
0xbf: {  	[dreg:$0x1] =	wrdreg $0xFFFFFFFF  }
0xc0: {  	_ =	task.clear_ibuf [dreg:s6], $0x2FFFF;
	_ =	strace $0x9FFFFFFF  }
0xc1: {  	(tm) =	ssettm $0x7FFFFFFF  }
tec
execute0_lowered:
.L_overlay_start_1:
0x0: {  	(tag) =	ssettag $0x1  }
0x1: {  	s1 =	srdreg.scid;
	s0 =	stileid.u32  }
0x2: {  	s5 =	sand.u32 $0x1, s1;
	s31 =	sshll.u32 s0, $0x1  }
0x3: {  	s1 =	sor.u32 s5, s31  }
0x4: {  	s7 =	rddreg [dreg:$0x0];
	s2 =	simm.s32 $0x0;
	s3 =	smul.u32 $0x4E2, s1  }
0x5: {  	s4 =	simm.s32 $0x2;
	[smem:$0x7FF] =	sst s2  }
0x6: {  	s8 =	ssub.s32 $0x2, s5;
	s1 =	rddreg [dreg:$0x1];
	s6 =	sadd.s32 s3, s7  }
0x7: {  	_ =	strace $0x8000004A;
	s9 =	sshrl.u32 s8, $0x1;
	s3 =	sadd.s32 $0x2400, s6  }
0x8: {  	[tilespmem:s2], [sflag:$0x2] =	stream.linear.gather [hbm4b:s3+s2], $0x2710, $0x38;
	[tilespmem:$0x4F00] =	vst v63  }
0x9: {  	s8 =	ssub.s32 s8, s9;
	_ =	swait.ge [sflag:s4], $0x2710  }
0xa: {  	s10 =	smax.u32 s8, $0x1;
	[sflag:s4] =	ssyncset.done $0x0  }
0xb: {  	s5 =	sadd.s32 $0xC200, s6;
	s6 =	simm.s32 $0x2780;
	[sflag:s4] =	ssyncadd.s32 $0xFFFFD8F0  }
0xc: {  	[tilespmem:s6], [sflag:$0x2] =	stream.linear.gather [hbm4b:s5+s2], $0x2710, $0x38;
	[tilespmem:$0x4F00] =	vst v63  }
0xd: {  	p0 =	sne.s32 s10, $0x1;
	_ =	swait.ge [sflag:s4], $0x2710  }
.Ltmp0:
0xe: {  	s9 =	simm.s32 $0x2710;
	[sflag:s4] =	ssyncset.done $0x0;
	(pc) =	sbr.rel @!p0 .LBB2_2-.Ltmp0, $4  }
0xf: {  	s7 =	sadd.s32 $0x16000, s7;
	s8 =	simm.s32 $0x1;
	[sflag:s4] =	ssyncadd.s32 $0xFFFFD8F0  }
0x10: {  	[hbm4b:s7+s9] =	stream.indirect.scatter [tilespmem:s6], [sflag:$0x1], $0x1, s2, s9, $0xb8;
	[tilespmem:$0x4F00] =	vst v63  }
0x11: {  	_ =	swait.ge [sflag:s8], $0x2710  }
0x12: {  	s10 =	sadd.s32 $0xFFFFFFFF, s10;
	[sflag:s8] =	ssyncset.done $0x0  }
.LBB2_1:
0x13: {  	p0 =	sne.s32 s10, $0x1;
	s10 =	sadd.s32 $0xFFFFFFFF, s10;
	[sflag:s8] =	ssyncadd.s32 $0xFFFFD8F0  }
0x14: {  	[tilespmem:s2], [sflag:$0x2] =	stream.linear.gather [hbm4b:s3+s2], $0x2710, $0x38;
	[tilespmem:$0x4F00] =	vst v63  }
0x15: {  	_ =	swait.ge [sflag:s4], $0x2710  }
0x16: {  	[sflag:s4] =	ssyncset.done $0x0  }
0x17: {  	[sflag:s4] =	ssyncadd.s32 $0xFFFFD8F0  }
0x18: {  	[tilespmem:s6], [sflag:$0x2] =	stream.linear.gather [hbm4b:s5+s2], $0x2710, $0x38;
	[tilespmem:$0x4F00] =	vst v63  }
0x19: {  	_ =	swait.ge [sflag:s4], $0x2710  }
.Ltmp1:
0x1a: {  	[sflag:s4] =	ssyncset.done $0x0;
	(pc) =	sbr.rel @p0 .LBB2_1-.Ltmp1, $4  }
0x1b: {  	[sflag:s4] =	ssyncadd.s32 $0xFFFFD8F0  }
0x1c: {  	[hbm4b:s7+s9] =	stream.indirect.scatter [tilespmem:s6], [sflag:$0x1], $0x1, s2, s9, $0xb8;
	[tilespmem:$0x4F00] =	vst v63  }
0x1d: {  	_ =	swait.ge [sflag:s8], $0x2710  }
0x1e: {  	[sflag:s8] =	ssyncset.done $0x0  }
.LBB2_2:
0x1f: {  	[sflag:s8] =	ssyncadd.s32 $0xFFFFD8F0  }
0x20: {  	_ =	sfence.sel $0x180000  }
0x21: {  	[bflag:$0x0] =	sbarrier.arrive $0xFFFF  }
0x22: {  	p0 =	sne.s32 s0, $0x0;
	_ =	strace $0x9000004A  }
0x23: {  	s0 =	sadd.s32 @!p0 $0x100000, s1;
	[bflag:$0x2] =	sbarrier.arrive $0xFFFF  }
0x24: {  	[sflag:s0] =	ssyncadd.tile.s32 @!p0 $0x1;
	_ =	shalt  }
.Lfunc_end2:
_tile_overlayer_lowered:
.L_overlay_start_2:
0x25: {  	(tag) =	ssettag $0x2  }
0x26: {  	s0 =	rddreg [dreg:$0x0];
	s2 =	stileid.u32  }
0x27: {  	s1 =	rddreg [dreg:$0x1];
	p0 =	sne.s32 s2, $0x0  }
0x28: {  	s3 =	rddreg [dreg:$0x2];
	[bflag:$0x3] =	sbarrier.arrive $0xFFFF;
	s2 =	simm.s32 @!p0 $0x1C02  }
0x29: {  	[timem:s3], [sflag:s2] =	dma.local @!p0 [hbm:s0], s1  }
0x2a: {  	s0 =	simm.s32 @!p0 $0x2  }
0x2b: {  	_ =	swait.ge @!p0 [sflag:s0], s1  }
0x2c: {  	s1 =	ssub.s32 @!p0 $0x0, s1;
	[sflag:s0] =	ssyncset.done @!p0 $0x0  }
0x2d: {  	[sflag:s0] =	ssyncadd.s32 @!p0 s1  }
0x2e: {  	[bflag:$0x3] =	sbarrier.arrive $0xFFFF  }
0x2f: {  	_ =	shalt  }

</sc_bundles>
